<compile_context>
chip_gen: v7x
topology: tpu7x:2x2x1
jax: 0.10.2.dev20260603
libtpu: 0.0.44.dev20260713+nightly
codegen_flags: <defaults>
</compile_context>

<pallas_src>
import functools

import jax
import jax.numpy as jnp
from jax import lax
from jax.experimental import pallas as pl
from jax.experimental.pallas import tpu as pltpu
from jax.experimental.pallas import tpu_sc as plsc

_BLK = 128
_NC = 2
_NS = 16


def _sc_segment_sum(x, edge_blocks, zeros):
  N, D = x.shape
  NP = zeros.shape[0]
  NW = _NC * _NS
  rows_per_tile = NP // _NS
  NB = edge_blocks.shape[0]
  base, rem = NB // NW, NB % NW

  mesh = plsc.VectorSubcoreMesh(core_axis_name="c", subcore_axis_name="s")

  @functools.partial(
      pl.kernel,
      out_type=jax.ShapeDtypeStruct((_NC, NP, D), jnp.float32),
      mesh=mesh,
      scratch_types=[
          pltpu.VMEM_SHARED((NP, D), jnp.float32),
          pltpu.VMEM((2, 2, _BLK), jnp.int32),
          pltpu.VMEM((_BLK, D), jnp.float32),
          pltpu.SemaphoreType.DMA,
          pltpu.SemaphoreType.DMA,
      ],
  )
  def k(x_hbm, eb_hbm, z_hbm, out_hbm, acc, eb_v, rows_v, esem, gsem):
    c = lax.axis_index("c")
    s = lax.axis_index("s")
    wid = s * _NC + c
    r0 = s * rows_per_tile

    pltpu.sync_copy(z_hbm.at[pl.ds(r0, rows_per_tile)],
                    acc.at[pl.ds(r0, rows_per_tile)])
    plsc.subcore_barrier()

    nmine = base + jnp.where(wid < rem, 1, 0)
    pltpu.async_copy(eb_hbm.at[wid], eb_v.at[0], esem)

    @pl.loop(0, nmine)
    def _(kk):
      jc = lax.rem(kk, 2)
      jn = 1 - jc
      pltpu.make_async_copy(eb_hbm.at[wid], eb_v.at[jc], esem).wait()

      @pl.when(kk < nmine - 1)
      def _():
        pltpu.async_copy(eb_hbm.at[wid + NW * (kk + 1)], eb_v.at[jn], esem)

      pltpu.async_copy(x_hbm.at[eb_v.at[jc, 0]], rows_v, gsem).wait()
      pltpu.sync_copy(rows_v, acc.at[eb_v.at[jc, 1]], add=True)

    plsc.subcore_barrier()
    pltpu.sync_copy(acc.at[pl.ds(r0, rows_per_tile)],
                    out_hbm.at[c, pl.ds(r0, rows_per_tile)])

  return k(x, edge_blocks, zeros)


def _tc_finish(x, partials, w_s, w_n):
  N, D = x.shape
  OUT = w_s.shape[1]
  BN = 1000

  def body(x_ref, p_ref, ws_ref, wn_ref, o_ref):
    agg = p_ref[0] + p_ref[1]
    o_ref[...] = jnp.maximum(
        jnp.dot(x_ref[...], ws_ref[...], preferred_element_type=jnp.float32)
        + jnp.dot(agg, wn_ref[...], preferred_element_type=jnp.float32),
        0.0)

  return pl.pallas_call(
      body,
      grid=(N // BN,),
      in_specs=[
          pl.BlockSpec((BN, D), lambda i: (i, 0)),
          pl.BlockSpec((_NC, BN, D), lambda i: (0, i, 0)),
          pl.BlockSpec((D, OUT), lambda i: (0, 0)),
          pl.BlockSpec((D, OUT), lambda i: (0, 0)),
      ],
      out_specs=pl.BlockSpec((BN, OUT), lambda i: (i, 0)),
      out_shape=jax.ShapeDtypeStruct((N, OUT), jnp.float32),
  )(x, partials, w_s, w_n)


def kernel(x, edge_index, w_s, w_n):
  N, D = x.shape
  E = edge_index.shape[1]
  align = 8 * _NS
  NP = ((N + align - 1) // align) * align
  if NP == N:
    NP += align

  NW = _NC * _NS
  assert E % _BLK == 0
  NB = E // _BLK
  edge_blocks = edge_index.reshape(2, NB, _BLK).transpose(1, 0, 2)
  zeros = jnp.zeros((NP, D), jnp.float32)
  partials = _sc_segment_sum(x, edge_blocks, zeros)
  return _tc_finish(x, partials, w_s, w_n)

# --- scband reference (transcript-rebuilt; emitter-appended) ---
"""Pipeline reference for scband-graph-conv-layer-49357764165671 (READ-ONLY COPY).

The authoritative reference and input builder live on the scoring server;
editing this copy changes nothing except your own understanding.
"""

import jax, jax.numpy as jnp
import numpy as np

N = 10000
E = 320000
D = 128
OUT = 128


def setup_inputs(seed: int = 0) -> dict:
    key = jax.random.key(seed)
    k1, k2, k3, k4 = jax.random.split(key, 4)
    x = jax.random.normal(k1, (N, D), dtype=jnp.float32)
    edge_index = jax.random.randint(k2, (2, E), 0, N, dtype=jnp.int32)
    limit = float(np.sqrt(6.0 / (D + OUT)))  # glorot_uniform
    w_s = jax.random.uniform(k3, (D, OUT), minval=-limit, maxval=limit, dtype=jnp.float32)
    w_n = jax.random.uniform(k4, (D, OUT), minval=-limit, maxval=limit, dtype=jnp.float32)
    return {"x": x, "edge_index": edge_index, "w_s": w_s, "w_n": w_n}


def reference(x, edge_index, w_s, w_n):
    # GraphConvLayer: out[i] = relu( x[i] @ w_s + sum_{j in N(i)} x[j] @ w_n )
    # (original applies the activation repeatedly inside the neighbor loop; the
    # standard / intended GCN semantics apply it once after aggregation)
    src = edge_index[0]
    dst = edge_index[1]
    self_term = x @ w_s                      # [N, OUT]
    gathered = jnp.take(x, src, axis=0)      # [E, D] gather
    msgs = gathered @ w_n                    # [E, OUT]
    agg = jax.ops.segment_sum(msgs, dst, num_segments=x.shape[0])  # [N, OUT] scatter-add
    return jax.nn.relu(self_term + agg)

if __name__ == "__main__":
    import jax
    _d = setup_inputs()
    print(jax.jit(kernel)(*tuple(_d.values())))

</pallas_src>

<mosaic_0001>
#map = affine_map<(d0, d1) -> (0, 0)>
#map1 = affine_map<(d0, d1) -> (0, 0, 0)>
module attributes {stable_mosaic.version = 14 : i64} {
  func.func @k(%arg0: i32, %arg1: i32, %arg2: memref<10000x128xf32, #tpu.memory_space<hbm>>, %arg3: memref<2500x2x128xi32, #tpu.memory_space<hbm>>, %arg4: memref<10112x128xf32, #tpu.memory_space<hbm>>, %arg5: memref<2x10112x128xf32, #tpu.memory_space<hbm>>, %arg6: memref<10112x128xf32, #tpu.memory_space<vmem_shared>>, %arg7: memref<2x2x128xi32, #tpu.memory_space<vmem>>, %arg8: memref<128x128xf32, #tpu.memory_space<vmem>>, %arg9: memref<!tpu.dma_semaphore, #tpu.memory_space<semaphore_mem>>, %arg10: memref<!tpu.dma_semaphore, #tpu.memory_space<semaphore_mem>>) attributes {dimension_semantics = [#tpu.dimension_semantics<core_parallel>, #tpu.dimension_semantics<subcore_parallel>], iteration_bounds = array<i64: 2, 16>, scalar_prefetch = 0 : i64, scratch_operands = 5 : i64, tpu.core_type = #tpu.core_type<sc_vector_subcore>, window_params = [{transform_indices = #map}, {transform_indices = #map1}, {transform_indices = #map}, {transform_indices = #map1}]} {
    %mul3A = arith.constant 2 : i32
    %mul3A_0 = arith.muli %arg1, %mul3A : i32
    %add3A = arith.addi %mul3A_0, %arg0 : i32
    %mul3A_1 = arith.constant 632 : i32
    %mul3A_2 = arith.muli %arg1, %mul3A_1 : i32
    "tpu.region"() ({
      %run_scoped3A = tpu.sem_alloc : memref<!tpu.dma_semaphore, #tpu.memory_space<semaphore_mem>>
      %dma_start3A_40 = arith.constant 0 : i32
      %dma_start3A_41 = tpu.memref_slice %arg6[%mul3A_2, %dma_start3A_40] : memref<10112x128xf32, #tpu.memory_space<vmem_shared>> -> memref<632x128xf32, #tpu.memory_space<vmem_shared>>
      %dma_start3A_42 = arith.constant 0 : i32
      %dma_start3A_43 = tpu.memref_slice %arg4[%mul3A_2, %dma_start3A_42] : memref<10112x128xf32, #tpu.memory_space<hbm>> -> memref<632x128xf32, #tpu.memory_space<hbm>>
      tpu.enqueue_dma source(%dma_start3A_43 : memref<632x128xf32, #tpu.memory_space<hbm>>) target(%dma_start3A_41 : memref<632x128xf32, #tpu.memory_space<vmem_shared>>) target_semaphore(%run_scoped3A : memref<!tpu.dma_semaphore, #tpu.memory_space<semaphore_mem>>)
      %dma_wait3A = arith.constant 0 : i32
      %dma_wait3A_44 = tpu.memref_slice %arg6[%mul3A_2, %dma_wait3A] : memref<10112x128xf32, #tpu.memory_space<vmem_shared>> -> memref<632x128xf32, #tpu.memory_space<vmem_shared>>
      %dma_wait3A_45 = arith.constant 0 : i32
      %dma_wait3A_46 = tpu.memref_slice %arg4[%mul3A_2, %dma_wait3A_45] : memref<10112x128xf32, #tpu.memory_space<hbm>> -> memref<632x128xf32, #tpu.memory_space<hbm>>
      tpu.wait_dma2 semaphore(%run_scoped3A : memref<!tpu.dma_semaphore, #tpu.memory_space<semaphore_mem>>) src(%dma_wait3A_46 : memref<632x128xf32, #tpu.memory_space<hbm>>) dst(%dma_wait3A_44 : memref<632x128xf32, #tpu.memory_space<vmem_shared>>)
      tpu.yield
    }) : () -> ()
    %barrier3A = arith.constant 0 : index
    tpu.barrier barrier_id(%barrier3A)
    %lt3A = arith.constant 4 : i32
    %lt3A_3 = arith.cmpi slt, %add3A, %lt3A : i32
    %jit3A = arith.constant 1 : i32
    %jit3A_4 = arith.constant 0 : i32
    %select_n3A = arith.select %lt3A_3, %jit3A, %jit3A_4 : i32
    %add3A_5 = arith.constant 78 : i32
    %add3A_6 = arith.addi %add3A_5, %select_n3A : i32
    %dma_start3A = arith.constant 0 : i32
    %dma_start3A_7 = arith.constant 0 : i32
    %dma_start3A_8 = arith.constant 0 : i32
    %dma_start3A_9 = tpu.memref_slice %arg7[%dma_start3A, %dma_start3A_7, %dma_start3A_8] : memref<2x2x128xi32, #tpu.memory_space<vmem>> -> memref<1x2x128xi32, #tpu.memory_space<vmem>>
    %dma_start3A_10 = tpu.memref_squeeze %dma_start3A_9 : memref<1x2x128xi32, #tpu.memory_space<vmem>> -> memref<2x128xi32, #tpu.memory_space<vmem>>
    %dma_start3A_11 = arith.constant 0 : i32
    %dma_start3A_12 = arith.constant 0 : i32
    %dma_start3A_13 = tpu.memref_slice %arg3[%add3A, %dma_start3A_11, %dma_start3A_12] : memref<2500x2x128xi32, #tpu.memory_space<hbm>> -> memref<1x2x128xi32, #tpu.memory_space<hbm>>
    %dma_start3A_14 = tpu.memref_squeeze %dma_start3A_13 : memref<1x2x128xi32, #tpu.memory_space<hbm>> -> memref<2x128xi32, #tpu.memory_space<hbm>>
    %dma_start3A_15 = arith.constant 0 : i32
    %dma_start3A_16 = arith.constant 0 : i32
    %dma_start3A_17 = tpu.memref_slice %arg7[%dma_start3A, %dma_start3A_15, %dma_start3A_16] : memref<2x2x128xi32, #tpu.memory_space<vmem>> -> memref<1x2x128xi32, #tpu.memory_space<vmem>>
    %dma_start3A_18 = tpu.memref_squeeze %dma_start3A_17 : memref<1x2x128xi32, #tpu.memory_space<vmem>> -> memref<2x128xi32, #tpu.memory_space<vmem>>
    %dma_start3A_19 = arith.constant 0 : i32
    %dma_start3A_20 = arith.constant 0 : i32
    %dma_start3A_21 = tpu.memref_slice %arg3[%add3A, %dma_start3A_19, %dma_start3A_20] : memref<2500x2x128xi32, #tpu.memory_space<hbm>> -> memref<1x2x128xi32, #tpu.memory_space<hbm>>
    %dma_start3A_22 = tpu.memref_squeeze %dma_start3A_21 : memref<1x2x128xi32, #tpu.memory_space<hbm>> -> memref<2x128xi32, #tpu.memory_space<hbm>>
    tpu.enqueue_dma source(%dma_start3A_22 : memref<2x128xi32, #tpu.memory_space<hbm>>) target(%dma_start3A_18 : memref<2x128xi32, #tpu.memory_space<vmem>>) target_semaphore(%arg9 : memref<!tpu.dma_semaphore, #tpu.memory_space<semaphore_mem>>)
    %sub3A = arith.constant 0 : i32
    %sub3A_23 = arith.subi %add3A_6, %sub3A : i32
    %sub3A_24 = arith.constant 1 : i32
    %sub3A_25 = arith.constant 1 : i32
    %sub3A_26 = arith.subi %sub3A_24, %sub3A_25 : i32
    %add3A_27 = arith.addi %sub3A_23, %sub3A_26 : i32
    %div3A = arith.constant 1 : i32
    %div3A_28 = arith.divsi %add3A_27, %div3A : i32
    %while3A = arith.constant 1 : i32
    %while3A_29 = arith.constant 0 : i32
    %while3A_30 = arith.constant 0 : i32
    %while3A_31 = arith.subi %div3A_28, %while3A_30 : i32
    %while3A_32 = arith.addi %while3A_30, %while3A_31 : i32
    %while3A_33 = arith.constant 1 : i32
    %while3A_34 = arith.divsi %while3A_31, %while3A_33 : i32
    %while3A_35 = arith.muli %while3A_34, %while3A_33 : i32
    %while3A_36 = arith.addi %while3A_30, %while3A_35 : i32
    %while3A_37 = arith.constant 1 : i32
    scf.for %while3A_40 = %while3A_30 to %while3A_36 step %while3A_37  : i32 {
      %mul3A_41 = arith.muli %while3A_40, %while3A : i32
      %add3A_42 = arith.addi %while3A_29, %mul3A_41 : i32
      %rem3A = arith.constant 2 : i32
      %rem3A_43 = arith.remsi %add3A_42, %rem3A : i32
      %sub3A_44 = arith.constant 1 : i32
      %sub3A_45 = arith.subi %sub3A_44, %rem3A_43 : i32
      %dma_wait3A = arith.constant 0 : i32
      %dma_wait3A_46 = arith.constant 0 : i32
      %dma_wait3A_47 = tpu.memref_slice %arg7[%rem3A_43, %dma_wait3A, %dma_wait3A_46] : memref<2x2x128xi32, #tpu.memory_space<vmem>> -> memref<1x2x128xi32, #tpu.memory_space<vmem>>
      %dma_wait3A_48 = tpu.memref_squeeze %dma_wait3A_47 : memref<1x2x128xi32, #tpu.memory_space<vmem>> -> memref<2x128xi32, #tpu.memory_space<vmem>>
      %dma_wait3A_49 = arith.constant 0 : i32
      %dma_wait3A_50 = arith.constant 0 : i32
      %dma_wait3A_51 = tpu.memref_slice %arg3[%add3A, %dma_wait3A_49, %dma_wait3A_50] : memref<2500x2x128xi32, #tpu.memory_space<hbm>> -> memref<1x2x128xi32, #tpu.memory_space<hbm>>
      %dma_wait3A_52 = tpu.memref_squeeze %dma_wait3A_51 : memref<1x2x128xi32, #tpu.memory_space<hbm>> -> memref<2x128xi32, #tpu.memory_space<hbm>>
      %dma_wait3A_53 = arith.constant 0 : i32
      %dma_wait3A_54 = arith.constant 0 : i32
      %dma_wait3A_55 = tpu.memref_slice %arg7[%rem3A_43, %dma_wait3A_53, %dma_wait3A_54] : memref<2x2x128xi32, #tpu.memory_space<vmem>> -> memref<1x2x128xi32, #tpu.memory_space<vmem>>
      %dma_wait3A_56 = tpu.memref_squeeze %dma_wait3A_55 : memref<1x2x128xi32, #tpu.memory_space<vmem>> -> memref<2x128xi32, #tpu.memory_space<vmem>>
      %dma_wait3A_57 = arith.constant 0 : i32
      %dma_wait3A_58 = arith.constant 0 : i32
      %dma_wait3A_59 = tpu.memref_slice %arg3[%add3A, %dma_wait3A_57, %dma_wait3A_58] : memref<2500x2x128xi32, #tpu.memory_space<hbm>> -> memref<1x2x128xi32, #tpu.memory_space<hbm>>
      %dma_wait3A_60 = tpu.memref_squeeze %dma_wait3A_59 : memref<1x2x128xi32, #tpu.memory_space<hbm>> -> memref<2x128xi32, #tpu.memory_space<hbm>>
      tpu.wait_dma2 semaphore(%arg9 : memref<!tpu.dma_semaphore, #tpu.memory_space<semaphore_mem>>) src(%dma_wait3A_60 : memref<2x128xi32, #tpu.memory_space<hbm>>) dst(%dma_wait3A_56 : memref<2x128xi32, #tpu.memory_space<vmem>>)
      %sub3A_61 = arith.constant 1 : i32
      %sub3A_62 = arith.subi %add3A_6, %sub3A_61 : i32
      %lt3A_63 = arith.cmpi slt, %add3A_42, %sub3A_62 : i32
      %convert_element_type3A = arith.extui %lt3A_63 : i1 to i32
      %cond3A = arith.constant 0 : i32
      %cond3A_64 = arith.cmpi ne, %convert_element_type3A, %cond3A : i32
      scf.if %cond3A_64 {
        %add3A_79 = arith.constant 1 : i32
        %add3A_80 = arith.addi %add3A_42, %add3A_79 : i32
        %mul3A_81 = arith.constant 32 : i32
        %mul3A_82 = arith.muli %mul3A_81, %add3A_80 : i32
        %add3A_83 = arith.addi %add3A, %mul3A_82 : i32
        %dma_start3A_84 = arith.constant 0 : i32
        %dma_start3A_85 = arith.constant 0 : i32
        %dma_start3A_86 = tpu.memref_slice %arg7[%sub3A_45, %dma_start3A_84, %dma_start3A_85] : memref<2x2x128xi32, #tpu.memory_space<vmem>> -> memref<1x2x128xi32, #tpu.memory_space<vmem>>
        %dma_start3A_87 = tpu.memref_squeeze %dma_start3A_86 : memref<1x2x128xi32, #tpu.memory_space<vmem>> -> memref<2x128xi32, #tpu.memory_space<vmem>>
        %dma_start3A_88 = arith.constant 0 : i32
        %dma_start3A_89 = arith.constant 0 : i32
        %dma_start3A_90 = tpu.memref_slice %arg3[%add3A_83, %dma_start3A_88, %dma_start3A_89] : memref<2500x2x128xi32, #tpu.memory_space<hbm>> -> memref<1x2x128xi32, #tpu.memory_space<hbm>>
        %dma_start3A_91 = tpu.memref_squeeze %dma_start3A_90 : memref<1x2x128xi32, #tpu.memory_space<hbm>> -> memref<2x128xi32, #tpu.memory_space<hbm>>
        %dma_start3A_92 = arith.constant 0 : i32
        %dma_start3A_93 = arith.constant 0 : i32
        %dma_start3A_94 = tpu.memref_slice %arg7[%sub3A_45, %dma_start3A_92, %dma_start3A_93] : memref<2x2x128xi32, #tpu.memory_space<vmem>> -> memref<1x2x128xi32, #tpu.memory_space<vmem>>
        %dma_start3A_95 = tpu.memref_squeeze %dma_start3A_94 : memref<1x2x128xi32, #tpu.memory_space<vmem>> -> memref<2x128xi32, #tpu.memory_space<vmem>>
        %dma_start3A_96 = arith.constant 0 : i32
        %dma_start3A_97 = arith.constant 0 : i32
        %dma_start3A_98 = tpu.memref_slice %arg3[%add3A_83, %dma_start3A_96, %dma_start3A_97] : memref<2500x2x128xi32, #tpu.memory_space<hbm>> -> memref<1x2x128xi32, #tpu.memory_space<hbm>>
        %dma_start3A_99 = tpu.memref_squeeze %dma_start3A_98 : memref<1x2x128xi32, #tpu.memory_space<hbm>> -> memref<2x128xi32, #tpu.memory_space<hbm>>
        tpu.enqueue_dma source(%dma_start3A_99 : memref<2x128xi32, #tpu.memory_space<hbm>>) target(%dma_start3A_95 : memref<2x128xi32, #tpu.memory_space<vmem>>) target_semaphore(%arg9 : memref<!tpu.dma_semaphore, #tpu.memory_space<semaphore_mem>>)
      } else {
      }
      %dma_start3A_65 = arith.constant 0 : i32
      %dma_start3A_66 = arith.constant 0 : i32
      %dma_start3A_67 = tpu.memref_slice %arg7[%rem3A_43, %dma_start3A_65, %dma_start3A_66] : memref<2x2x128xi32, #tpu.memory_space<vmem>> -> memref<1x1x128xi32, #tpu.memory_space<vmem>>
      %dma_start3A_68 = tpu.memref_squeeze %dma_start3A_67 : memref<1x1x128xi32, #tpu.memory_space<vmem>> -> memref<128xi32, #tpu.memory_space<vmem>>
      %dma_start3A_69 = arith.constant 0 : i32
      %dma_start3A_70 = arith.constant 0 : i32
      %dma_start3A_71 = tpu.memref_slice %arg2[%dma_start3A_69, %dma_start3A_70] : memref<10000x128xf32, #tpu.memory_space<hbm>> -> memref<10000x128xf32, #tpu.memory_space<hbm>>
      tpu.enqueue_indirect_dma source(%dma_start3A_71 : memref<10000x128xf32, #tpu.memory_space<hbm>>) target(%arg8 : memref<128x128xf32, #tpu.memory_space<vmem>>) offsets(%dma_start3A_68 : memref<128xi32, #tpu.memory_space<vmem>>) semaphore(%arg10 : memref<!tpu.dma_semaphore, #tpu.memory_space<semaphore_mem>>)
      %dma_wait3A_72 = arith.constant 0 : i32
      %dma_wait3A_73 = arith.constant 0 : i32
      %dma_wait3A_74 = tpu.memref_slice %arg7[%rem3A_43, %dma_wait3A_72, %dma_wait3A_73] : memref<2x2x128xi32, #tpu.memory_space<vmem>> -> memref<1x1x128xi32, #tpu.memory_space<vmem>>
      %dma_wait3A_75 = tpu.memref_squeeze %dma_wait3A_74 : memref<1x1x128xi32, #tpu.memory_space<vmem>> -> memref<128xi32, #tpu.memory_space<vmem>>
      %dma_wait3A_76 = arith.constant 0 : i32
      %dma_wait3A_77 = arith.constant 0 : i32
      %dma_wait3A_78 = tpu.memref_slice %arg2[%dma_wait3A_76, %dma_wait3A_77] : memref<10000x128xf32, #tpu.memory_space<hbm>> -> memref<10000x128xf32, #tpu.memory_space<hbm>>
      tpu.wait_indirect_dma semaphore(%arg10 : memref<!tpu.dma_semaphore, #tpu.memory_space<semaphore_mem>>) src(%dma_wait3A_78 : memref<10000x128xf32, #tpu.memory_space<hbm>>) dst(%arg8 : memref<128x128xf32, #tpu.memory_space<vmem>>)
      %run_scoped3A = arith.constant 1 : i32
      "tpu.region"() ({
        %run_scoped3A_79 = tpu.sem_alloc : memref<!tpu.dma_semaphore, #tpu.memory_space<semaphore_mem>>
        %dma_start3A_80 = arith.constant 0 : i32
        %dma_start3A_81 = tpu.memref_slice %arg7[%rem3A_43, %run_scoped3A, %dma_start3A_80] : memref<2x2x128xi32, #tpu.memory_space<vmem>> -> memref<1x1x128xi32, #tpu.memory_space<vmem>>
        %dma_start3A_82 = tpu.memref_squeeze %dma_start3A_81 : memref<1x1x128xi32, #tpu.memory_space<vmem>> -> memref<128xi32, #tpu.memory_space<vmem>>
        %dma_start3A_83 = arith.constant 0 : i32
        %dma_start3A_84 = arith.constant 0 : i32
        %dma_start3A_85 = tpu.memref_slice %arg6[%dma_start3A_83, %dma_start3A_84] : memref<10112x128xf32, #tpu.memory_space<vmem_shared>> -> memref<10112x128xf32, #tpu.memory_space<vmem_shared>>
        tpu.enqueue_indirect_dma source(%arg8 : memref<128x128xf32, #tpu.memory_space<vmem>>) target(%dma_start3A_85 : memref<10112x128xf32, #tpu.memory_space<vmem_shared>>) offsets(%dma_start3A_82 : memref<128xi32, #tpu.memory_space<vmem>>) semaphore(%run_scoped3A_79 : memref<!tpu.dma_semaphore, #tpu.memory_space<semaphore_mem>>) {add = true}
        %dma_wait3A_86 = arith.constant 0 : i32
        %dma_wait3A_87 = tpu.memref_slice %arg7[%rem3A_43, %run_scoped3A, %dma_wait3A_86] : memref<2x2x128xi32, #tpu.memory_space<vmem>> -> memref<1x1x128xi32, #tpu.memory_space<vmem>>
        %dma_wait3A_88 = tpu.memref_squeeze %dma_wait3A_87 : memref<1x1x128xi32, #tpu.memory_space<vmem>> -> memref<128xi32, #tpu.memory_space<vmem>>
        %dma_wait3A_89 = arith.constant 0 : i32
        %dma_wait3A_90 = arith.constant 0 : i32
        %dma_wait3A_91 = tpu.memref_slice %arg6[%dma_wait3A_89, %dma_wait3A_90] : memref<10112x128xf32, #tpu.memory_space<vmem_shared>> -> memref<10112x128xf32, #tpu.memory_space<vmem_shared>>
        tpu.wait_indirect_dma semaphore(%run_scoped3A_79 : memref<!tpu.dma_semaphore, #tpu.memory_space<semaphore_mem>>) src(%arg8 : memref<128x128xf32, #tpu.memory_space<vmem>>) dst(%dma_wait3A_91 : memref<10112x128xf32, #tpu.memory_space<vmem_shared>>)
        tpu.yield
      }) : () -> ()
    }
    %while3A_38 = arith.constant 1 : i32
    scf.for %while3A_40 = %while3A_36 to %while3A_32 step %while3A_38  : i32 {
      %mul3A_41 = arith.muli %while3A_40, %while3A : i32
      %add3A_42 = arith.addi %while3A_29, %mul3A_41 : i32
      %rem3A = arith.constant 2 : i32
      %rem3A_43 = arith.remsi %add3A_42, %rem3A : i32
      %sub3A_44 = arith.constant 1 : i32
      %sub3A_45 = arith.subi %sub3A_44, %rem3A_43 : i32
      %dma_wait3A = arith.constant 0 : i32
      %dma_wait3A_46 = arith.constant 0 : i32
      %dma_wait3A_47 = tpu.memref_slice %arg7[%rem3A_43, %dma_wait3A, %dma_wait3A_46] : memref<2x2x128xi32, #tpu.memory_space<vmem>> -> memref<1x2x128xi32, #tpu.memory_space<vmem>>
      %dma_wait3A_48 = tpu.memref_squeeze %dma_wait3A_47 : memref<1x2x128xi32, #tpu.memory_space<vmem>> -> memref<2x128xi32, #tpu.memory_space<vmem>>
      %dma_wait3A_49 = arith.constant 0 : i32
      %dma_wait3A_50 = arith.constant 0 : i32
      %dma_wait3A_51 = tpu.memref_slice %arg3[%add3A, %dma_wait3A_49, %dma_wait3A_50] : memref<2500x2x128xi32, #tpu.memory_space<hbm>> -> memref<1x2x128xi32, #tpu.memory_space<hbm>>
      %dma_wait3A_52 = tpu.memref_squeeze %dma_wait3A_51 : memref<1x2x128xi32, #tpu.memory_space<hbm>> -> memref<2x128xi32, #tpu.memory_space<hbm>>
      %dma_wait3A_53 = arith.constant 0 : i32
      %dma_wait3A_54 = arith.constant 0 : i32
      %dma_wait3A_55 = tpu.memref_slice %arg7[%rem3A_43, %dma_wait3A_53, %dma_wait3A_54] : memref<2x2x128xi32, #tpu.memory_space<vmem>> -> memref<1x2x128xi32, #tpu.memory_space<vmem>>
      %dma_wait3A_56 = tpu.memref_squeeze %dma_wait3A_55 : memref<1x2x128xi32, #tpu.memory_space<vmem>> -> memref<2x128xi32, #tpu.memory_space<vmem>>
      %dma_wait3A_57 = arith.constant 0 : i32
      %dma_wait3A_58 = arith.constant 0 : i32
      %dma_wait3A_59 = tpu.memref_slice %arg3[%add3A, %dma_wait3A_57, %dma_wait3A_58] : memref<2500x2x128xi32, #tpu.memory_space<hbm>> -> memref<1x2x128xi32, #tpu.memory_space<hbm>>
      %dma_wait3A_60 = tpu.memref_squeeze %dma_wait3A_59 : memref<1x2x128xi32, #tpu.memory_space<hbm>> -> memref<2x128xi32, #tpu.memory_space<hbm>>
      tpu.wait_dma2 semaphore(%arg9 : memref<!tpu.dma_semaphore, #tpu.memory_space<semaphore_mem>>) src(%dma_wait3A_60 : memref<2x128xi32, #tpu.memory_space<hbm>>) dst(%dma_wait3A_56 : memref<2x128xi32, #tpu.memory_space<vmem>>)
      %sub3A_61 = arith.constant 1 : i32
      %sub3A_62 = arith.subi %add3A_6, %sub3A_61 : i32
      %lt3A_63 = arith.cmpi slt, %add3A_42, %sub3A_62 : i32
      %convert_element_type3A = arith.extui %lt3A_63 : i1 to i32
      %cond3A = arith.constant 0 : i32
      %cond3A_64 = arith.cmpi ne, %convert_element_type3A, %cond3A : i32
      scf.if %cond3A_64 {
        %add3A_79 = arith.constant 1 : i32
        %add3A_80 = arith.addi %add3A_42, %add3A_79 : i32
        %mul3A_81 = arith.constant 32 : i32
        %mul3A_82 = arith.muli %mul3A_81, %add3A_80 : i32
        %add3A_83 = arith.addi %add3A, %mul3A_82 : i32
        %dma_start3A_84 = arith.constant 0 : i32
        %dma_start3A_85 = arith.constant 0 : i32
        %dma_start3A_86 = tpu.memref_slice %arg7[%sub3A_45, %dma_start3A_84, %dma_start3A_85] : memref<2x2x128xi32, #tpu.memory_space<vmem>> -> memref<1x2x128xi32, #tpu.memory_space<vmem>>
        %dma_start3A_87 = tpu.memref_squeeze %dma_start3A_86 : memref<1x2x128xi32, #tpu.memory_space<vmem>> -> memref<2x128xi32, #tpu.memory_space<vmem>>
        %dma_start3A_88 = arith.constant 0 : i32
        %dma_start3A_89 = arith.constant 0 : i32
        %dma_start3A_90 = tpu.memref_slice %arg3[%add3A_83, %dma_start3A_88, %dma_start3A_89] : memref<2500x2x128xi32, #tpu.memory_space<hbm>> -> memref<1x2x128xi32, #tpu.memory_space<hbm>>
        %dma_start3A_91 = tpu.memref_squeeze %dma_start3A_90 : memref<1x2x128xi32, #tpu.memory_space<hbm>> -> memref<2x128xi32, #tpu.memory_space<hbm>>
        %dma_start3A_92 = arith.constant 0 : i32
        %dma_start3A_93 = arith.constant 0 : i32
        %dma_start3A_94 = tpu.memref_slice %arg7[%sub3A_45, %dma_start3A_92, %dma_start3A_93] : memref<2x2x128xi32, #tpu.memory_space<vmem>> -> memref<1x2x128xi32, #tpu.memory_space<vmem>>
        %dma_start3A_95 = tpu.memref_squeeze %dma_start3A_94 : memref<1x2x128xi32, #tpu.memory_space<vmem>> -> memref<2x128xi32, #tpu.memory_space<vmem>>
        %dma_start3A_96 = arith.constant 0 : i32
        %dma_start3A_97 = arith.constant 0 : i32
        %dma_start3A_98 = tpu.memref_slice %arg3[%add3A_83, %dma_start3A_96, %dma_start3A_97] : memref<2500x2x128xi32, #tpu.memory_space<hbm>> -> memref<1x2x128xi32, #tpu.memory_space<hbm>>
        %dma_start3A_99 = tpu.memref_squeeze %dma_start3A_98 : memref<1x2x128xi32, #tpu.memory_space<hbm>> -> memref<2x128xi32, #tpu.memory_space<hbm>>
        tpu.enqueue_dma source(%dma_start3A_99 : memref<2x128xi32, #tpu.memory_space<hbm>>) target(%dma_start3A_95 : memref<2x128xi32, #tpu.memory_space<vmem>>) target_semaphore(%arg9 : memref<!tpu.dma_semaphore, #tpu.memory_space<semaphore_mem>>)
      } else {
      }
      %dma_start3A_65 = arith.constant 0 : i32
      %dma_start3A_66 = arith.constant 0 : i32
      %dma_start3A_67 = tpu.memref_slice %arg7[%rem3A_43, %dma_start3A_65, %dma_start3A_66] : memref<2x2x128xi32, #tpu.memory_space<vmem>> -> memref<1x1x128xi32, #tpu.memory_space<vmem>>
      %dma_start3A_68 = tpu.memref_squeeze %dma_start3A_67 : memref<1x1x128xi32, #tpu.memory_space<vmem>> -> memref<128xi32, #tpu.memory_space<vmem>>
      %dma_start3A_69 = arith.constant 0 : i32
      %dma_start3A_70 = arith.constant 0 : i32
      %dma_start3A_71 = tpu.memref_slice %arg2[%dma_start3A_69, %dma_start3A_70] : memref<10000x128xf32, #tpu.memory_space<hbm>> -> memref<10000x128xf32, #tpu.memory_space<hbm>>
      tpu.enqueue_indirect_dma source(%dma_start3A_71 : memref<10000x128xf32, #tpu.memory_space<hbm>>) target(%arg8 : memref<128x128xf32, #tpu.memory_space<vmem>>) offsets(%dma_start3A_68 : memref<128xi32, #tpu.memory_space<vmem>>) semaphore(%arg10 : memref<!tpu.dma_semaphore, #tpu.memory_space<semaphore_mem>>)
      %dma_wait3A_72 = arith.constant 0 : i32
      %dma_wait3A_73 = arith.constant 0 : i32
      %dma_wait3A_74 = tpu.memref_slice %arg7[%rem3A_43, %dma_wait3A_72, %dma_wait3A_73] : memref<2x2x128xi32, #tpu.memory_space<vmem>> -> memref<1x1x128xi32, #tpu.memory_space<vmem>>
      %dma_wait3A_75 = tpu.memref_squeeze %dma_wait3A_74 : memref<1x1x128xi32, #tpu.memory_space<vmem>> -> memref<128xi32, #tpu.memory_space<vmem>>
      %dma_wait3A_76 = arith.constant 0 : i32
      %dma_wait3A_77 = arith.constant 0 : i32
      %dma_wait3A_78 = tpu.memref_slice %arg2[%dma_wait3A_76, %dma_wait3A_77] : memref<10000x128xf32, #tpu.memory_space<hbm>> -> memref<10000x128xf32, #tpu.memory_space<hbm>>
      tpu.wait_indirect_dma semaphore(%arg10 : memref<!tpu.dma_semaphore, #tpu.memory_space<semaphore_mem>>) src(%dma_wait3A_78 : memref<10000x128xf32, #tpu.memory_space<hbm>>) dst(%arg8 : memref<128x128xf32, #tpu.memory_space<vmem>>)
      %run_scoped3A = arith.constant 1 : i32
      "tpu.region"() ({
        %run_scoped3A_79 = tpu.sem_alloc : memref<!tpu.dma_semaphore, #tpu.memory_space<semaphore_mem>>
        %dma_start3A_80 = arith.constant 0 : i32
        %dma_start3A_81 = tpu.memref_slice %arg7[%rem3A_43, %run_scoped3A, %dma_start3A_80] : memref<2x2x128xi32, #tpu.memory_space<vmem>> -> memref<1x1x128xi32, #tpu.memory_space<vmem>>
        %dma_start3A_82 = tpu.memref_squeeze %dma_start3A_81 : memref<1x1x128xi32, #tpu.memory_space<vmem>> -> memref<128xi32, #tpu.memory_space<vmem>>
        %dma_start3A_83 = arith.constant 0 : i32
        %dma_start3A_84 = arith.constant 0 : i32
        %dma_start3A_85 = tpu.memref_slice %arg6[%dma_start3A_83, %dma_start3A_84] : memref<10112x128xf32, #tpu.memory_space<vmem_shared>> -> memref<10112x128xf32, #tpu.memory_space<vmem_shared>>
        tpu.enqueue_indirect_dma source(%arg8 : memref<128x128xf32, #tpu.memory_space<vmem>>) target(%dma_start3A_85 : memref<10112x128xf32, #tpu.memory_space<vmem_shared>>) offsets(%dma_start3A_82 : memref<128xi32, #tpu.memory_space<vmem>>) semaphore(%run_scoped3A_79 : memref<!tpu.dma_semaphore, #tpu.memory_space<semaphore_mem>>) {add = true}
        %dma_wait3A_86 = arith.constant 0 : i32
        %dma_wait3A_87 = tpu.memref_slice %arg7[%rem3A_43, %run_scoped3A, %dma_wait3A_86] : memref<2x2x128xi32, #tpu.memory_space<vmem>> -> memref<1x1x128xi32, #tpu.memory_space<vmem>>
        %dma_wait3A_88 = tpu.memref_squeeze %dma_wait3A_87 : memref<1x1x128xi32, #tpu.memory_space<vmem>> -> memref<128xi32, #tpu.memory_space<vmem>>
        %dma_wait3A_89 = arith.constant 0 : i32
        %dma_wait3A_90 = arith.constant 0 : i32
        %dma_wait3A_91 = tpu.memref_slice %arg6[%dma_wait3A_89, %dma_wait3A_90] : memref<10112x128xf32, #tpu.memory_space<vmem_shared>> -> memref<10112x128xf32, #tpu.memory_space<vmem_shared>>
        tpu.wait_indirect_dma semaphore(%run_scoped3A_79 : memref<!tpu.dma_semaphore, #tpu.memory_space<semaphore_mem>>) src(%arg8 : memref<128x128xf32, #tpu.memory_space<vmem>>) dst(%dma_wait3A_91 : memref<10112x128xf32, #tpu.memory_space<vmem_shared>>)
        tpu.yield
      }) : () -> ()
    }
    %barrier3A_39 = arith.constant 0 : index
    tpu.barrier barrier_id(%barrier3A_39)
    "tpu.region"() ({
      %run_scoped3A = tpu.sem_alloc : memref<!tpu.dma_semaphore, #tpu.memory_space<semaphore_mem>>
      %dma_start3A_40 = arith.constant 0 : i32
      %dma_start3A_41 = tpu.memref_slice %arg5[%arg0, %mul3A_2, %dma_start3A_40] : memref<2x10112x128xf32, #tpu.memory_space<hbm>> -> memref<1x632x128xf32, #tpu.memory_space<hbm>>
      %dma_start3A_42 = tpu.memref_squeeze %dma_start3A_41 : memref<1x632x128xf32, #tpu.memory_space<hbm>> -> memref<632x128xf32, #tpu.memory_space<hbm>>
      %dma_start3A_43 = arith.constant 0 : i32
      %dma_start3A_44 = tpu.memref_slice %arg6[%mul3A_2, %dma_start3A_43] : memref<10112x128xf32, #tpu.memory_space<vmem_shared>> -> memref<632x128xf32, #tpu.memory_space<vmem_shared>>
      tpu.enqueue_dma source(%dma_start3A_44 : memref<632x128xf32, #tpu.memory_space<vmem_shared>>) target(%dma_start3A_42 : memref<632x128xf32, #tpu.memory_space<hbm>>) target_semaphore(%run_scoped3A : memref<!tpu.dma_semaphore, #tpu.memory_space<semaphore_mem>>)
      %dma_wait3A = arith.constant 0 : i32
      %dma_wait3A_45 = tpu.memref_slice %arg5[%arg0, %mul3A_2, %dma_wait3A] : memref<2x10112x128xf32, #tpu.memory_space<hbm>> -> memref<1x632x128xf32, #tpu.memory_space<hbm>>
      %dma_wait3A_46 = tpu.memref_squeeze %dma_wait3A_45 : memref<1x632x128xf32, #tpu.memory_space<hbm>> -> memref<632x128xf32, #tpu.memory_space<hbm>>
      %dma_wait3A_47 = arith.constant 0 : i32
      %dma_wait3A_48 = tpu.memref_slice %arg6[%mul3A_2, %dma_wait3A_47] : memref<10112x128xf32, #tpu.memory_space<vmem_shared>> -> memref<632x128xf32, #tpu.memory_space<vmem_shared>>
      tpu.wait_dma2 semaphore(%run_scoped3A : memref<!tpu.dma_semaphore, #tpu.memory_space<semaphore_mem>>) src(%dma_wait3A_48 : memref<632x128xf32, #tpu.memory_space<vmem_shared>>) dst(%dma_wait3A_46 : memref<632x128xf32, #tpu.memory_space<hbm>>)
      tpu.yield
    }) : () -> ()
    return
  }
}

module attributes {stable_mosaic.version = 14 : i64} {
  func.func @body(%arg0: i32, %arg1: memref<1000x128xf32, #tpu.memory_space<vmem>>, %arg2: memref<2x1000x128xf32, #tpu.memory_space<vmem>>, %arg3: memref<128x128xf32, #tpu.memory_space<vmem>>, %arg4: memref<128x128xf32, #tpu.memory_space<vmem>>, %arg5: memref<1000x128xf32, #tpu.memory_space<vmem>>) attributes {dimension_semantics = [#tpu.dimension_semantics<arbitrary>], iteration_bounds = array<i64: 10>, scalar_prefetch = 0 : i64, scratch_operands = 0 : i64, tpu.core_type = #tpu.core_type<tc>, window_params = [{transform_indices = @transform_0, window_bounds = array<i64: 1000, 128>}, {transform_indices = @transform_1, window_bounds = array<i64: 2, 1000, 128>}, {pipeline_mode = #tpu.pipeline_mode<synchronous>, transform_indices = @transform_2, window_bounds = array<i64: 128, 128>}, {pipeline_mode = #tpu.pipeline_mode<synchronous>, transform_indices = @transform_3, window_bounds = array<i64: 128, 128>}, {transform_indices = @transform_4, window_bounds = array<i64: 1000, 128>}]} {
    %get3A = arith.constant 0 : index
    %get3A_0 = arith.constant 0 : index
    %get3A_1 = arith.constant 0 : index
    %get3A_2 = vector.load %arg2[%get3A, %get3A_0, %get3A_1] : memref<2x1000x128xf32, #tpu.memory_space<vmem>>, vector<1x1000x128xf32>
    %get3A_3 = vector.shape_cast %get3A_2 : vector<1x1000x128xf32> to vector<1000x128xf32>
    %get3A_4 = arith.constant 1 : index
    %get3A_5 = arith.constant 0 : index
    %get3A_6 = arith.constant 0 : index
    %get3A_7 = vector.load %arg2[%get3A_4, %get3A_5, %get3A_6] : memref<2x1000x128xf32, #tpu.memory_space<vmem>>, vector<1x1000x128xf32>
    %get3A_8 = vector.shape_cast %get3A_7 : vector<1x1000x128xf32> to vector<1000x128xf32>
    %add3A = arith.addf %get3A_3, %get3A_8 : vector<1000x128xf32>
    %get3A_9 = arith.constant 0 : index
    %get3A_10 = arith.constant 0 : index
    %get3A_11 = vector.load %arg1[%get3A_9, %get3A_10] : memref<1000x128xf32, #tpu.memory_space<vmem>>, vector<1000x128xf32>
    %get3A_12 = arith.constant 0 : index
    %get3A_13 = arith.constant 0 : index
    %get3A_14 = vector.load %arg3[%get3A_12, %get3A_13] : memref<128x128xf32, #tpu.memory_space<vmem>>, vector<128x128xf32>
    %dot_general3A = arith.constant dense<0.000000e+00> : vector<1000x128xf32>
    %dot_general3A_15 = tpu.matmul %get3A_11, %get3A_14, %dot_general3A {dimension_numbers = #tpu.dot_dimension_numbers<[1], [0], [0], [1], [0, 0, 1, 1], [], []>, transpose_lhs_hint = false} : vector<1000x128xf32>, vector<128x128xf32>, vector<1000x128xf32> -> vector<1000x128xf32>
    %get3A_16 = arith.constant 0 : index
    %get3A_17 = arith.constant 0 : index
    %get3A_18 = vector.load %arg4[%get3A_16, %get3A_17] : memref<128x128xf32, #tpu.memory_space<vmem>>, vector<128x128xf32>
    %dot_general3A_19 = arith.constant dense<0.000000e+00> : vector<1000x128xf32>
    %dot_general3A_20 = tpu.matmul %add3A, %get3A_18, %dot_general3A_19 {dimension_numbers = #tpu.dot_dimension_numbers<[1], [0], [0], [1], [0, 0, 1, 1], [], []>, transpose_lhs_hint = false} : vector<1000x128xf32>, vector<128x128xf32>, vector<1000x128xf32> -> vector<1000x128xf32>
    %add3A_21 = arith.addf %dot_general3A_15, %dot_general3A_20 : vector<1000x128xf32>
    %max3A = arith.constant 0.000000e+00 : f32
    %max3A_22 = vector.broadcast %max3A : f32 to vector<1000x128xf32>
    %max3A_23 = arith.maximumf %add3A_21, %max3A_22 : vector<1000x128xf32>
    %swap3A = arith.constant 0 : index
    %swap3A_24 = arith.constant 0 : index
    %swap3A_25 = vector.load %arg5[%swap3A, %swap3A_24] : memref<1000x128xf32, #tpu.memory_space<vmem>>, vector<1000x128xf32>
    tpu.vector_store %arg5[%swap3A, %swap3A_24], %max3A_23 {strides = array<i32>} : memref<1000x128xf32, #tpu.memory_space<vmem>>, vector<1000x128xf32>,
    return
  }
  func.func @transform_0(%arg0: i32) -> (i32, i32) {
    %c0_i32 = arith.constant 0 : i32
    %c0_i32_0 = arith.constant 0 : i32
    return %arg0, %c0_i32 : i32, i32
  }
  func.func @transform_1(%arg0: i32) -> (i32, i32, i32) {
    %c0_i32 = arith.constant 0 : i32
    %c0_i32_0 = arith.constant 0 : i32
    %c0_i32_1 = arith.constant 0 : i32
    return %c0_i32, %arg0, %c0_i32_0 : i32, i32, i32
  }
  func.func @transform_2(%arg0: i32) -> (i32, i32) {
    %c0_i32 = arith.constant 0 : i32
    %c0_i32_0 = arith.constant 0 : i32
    %c0_i32_1 = arith.constant 0 : i32
    return %c0_i32, %c0_i32_0 : i32, i32
  }
  func.func @transform_3(%arg0: i32) -> (i32, i32) {
    %c0_i32 = arith.constant 0 : i32
    %c0_i32_0 = arith.constant 0 : i32
    %c0_i32_1 = arith.constant 0 : i32
    return %c0_i32, %c0_i32_0 : i32, i32
  }
  func.func @transform_4(%arg0: i32) -> (i32, i32) {
    %c0_i32 = arith.constant 0 : i32
    %c0_i32_0 = arith.constant 0 : i32
    return %arg0, %c0_i32 : i32, i32
  }
}

</mosaic_0001>

<sc_bundles>
// kernel: kernel.4.cloned.1.call-start
scs
__scs_entry_jumppad:
0x0: {  	(pc) =	sbr.rel $0x88, $3  }
0x1: {  	(tag) =	ssettag $0x0;
	lr =	simm.s32 $0x1  }
0x2: {  	[smem:$0x3F9D] =	sst lr;
	_ =	strace $0xD0000000  }
0x3: {  	_ = 	snop  }
0x4: {  	_ = 	snop  }
0x5: {  	_ = 	snop  }
0x6: {  	_ = 	snop  }
0x7: {  	_ = 	snop  }
__scs_overlays_trampoline_lowered:
0x8: {  	[smem:$0x3FAC] =	sst s0  }
0x9: {  	[smem:$0x3FAD] =	sst s1  }
0xa: {  	[smem:$0x3FAE] =	sst s2  }
0xb: {  	[smem:$0x3FAF] =	sst s3  }
0xc: {  	[smem:$0x3FB0] =	sst s4  }
0xd: {  	[smem:$0x3FB1] =	sst s5  }
0xe: {  	[smem:$0x3FB2] =	sst s6  }
0xf: {  	[smem:$0x3FB3] =	sst s7  }
0x10: {  	[smem:$0x3FB4] =	sst s8  }
0x11: {  	[smem:$0x3FB5] =	sst s9;
	s0 =	simm.s32 @!p0 $0x0  }
0x12: {  	s1 =	sld [smem:$0x3F9B];
	s0 =	simm.s32 @p0 $0x1  }
0x13: {  	[smem:$0x3FB6] =	sst s0;
	s0 =	simm.s32 @!p1 $0x0  }
0x14: {  	s2 =	sld [smem:$0x3F9A];
	s0 =	simm.s32 @p1 $0x1  }
0x15: {  	[smem:$0x3FB7] =	sst s0;
	s0 =	simm.s32 @!p2 $0x0  }
0x16: {  	s3 =	sld [smem:$0x3FDB];
	s0 =	simm.s32 @p2 $0x1  }
0x17: {  	s4 =	simm.s32 $0x1BF5;
	[smem:$0x3FB9] =	sst s0  }
0x18: {  	s0 =	sld [smem:$0x3F9C];
	_ =	swait.ge [sflag:s4], $0x0  }
0x19: {  	s7 =	sld [smem:$0x3F9D]  }
0x1a: {  	s8 =	sadd.s32 $0xFFFFE003, lr  }
0x1b: {  	s9 =	sadd.s32 $0xFFFFFEF7, lr;
	s5 =	simm.s32 $0xFFFFFFFF;
	p2 =	slt.u32 s8, $0xFFFFF086  }
0x1c: {  	p1 =	slt.u32 s9, $0xF7A;
	s5 =	simm.s32 @!p2 $0x0  }
0x1d: {  	s5 =	simm.s32 @p1 $0x1;
	p0 =	seq.s32 s7, s2  }
0x1e: {  	s7 =	smul.u32 @!p0 $0xF7A, s2;
	p2 =	seq.s32 @!p0 s5, $0x0  }
0x1f: {  	s9 =	smul.u32 $0xF7A, s1;
	s8 =	simm.s32 @!p0 $0x1BF5;
	p2 =	por !p2, p0  }
0x20: {  	[sflag:s8] =	ssyncset.s32 @!p0 $0xFFFFF086;
	s6 =	sadd.s32 @!p0 s3, s7;
	s7 =	simm.s32 @!p0 $0x108  }
0x21: {  	s3 =	sadd.s32 s3, s9;
	s6 =	sadd.s32 @!p0 $0x88, s6;
	s7 =	simm.s32 @p2 $0x1082  }
0x22: {  	[simem:s7], [sflag:s8] =	dma.local @!p0 [hbm:s6], $0xF7A  }
0x23: {  	s9 =	sor.u32 $0xD0000000, s2;
	s6 =	simm.s32 $0x108;
	_ =	swait.ge @!p0 [sflag:s8], $0x0  }
0x24: {  	s3 =	sadd.s32 $0x88, s3;
	s6 =	simm.s32 @!p1 $0x1082;
	[sflag:s4] =	ssyncset.s32 $0xFFFFF086  }
0x25: {  	[simem:s6], [sflag:s4] =	dma.local [hbm:s3], $0xF7A  }
0x26: {  	[smem:$0x3F9D] =	sst s1;
	(tag) =	ssettag s2;
	_ =	strace s9  }
0x27: {  	s1 =	sld [smem:$0x3FAD]  }
0x28: {  	s2 =	sld [smem:$0x3FAE]  }
0x29: {  	s4 =	sld [smem:$0x3FB0]  }
0x2a: {  	p0 =	seq.s32 s5, $0x0;
	s5 =	sld [smem:$0x3FB1]  }
0x2b: {  	s6 =	sld [smem:$0x3FB2]  }
0x2c: {  	s7 =	sld [smem:$0x3FB3]  }
0x2d: {  	s3 =	simm.s32 $0x108;
	s8 =	sld [smem:$0x3FB4]  }
0x2e: {  	s3 =	simm.s32 @!p0 $0x1082;
	s9 =	sld [smem:$0x3FB5]  }
0x2f: {  	lr =	sadd.s32 s0, s3;
	s0 =	sld [smem:$0x3FAC]  }
0x30: {  	s3 =	sld [smem:$0x3FAF]  }
0x31: {  	[smem:$0x3FB8] =	sst s10  }
0x32: {  	s10 =	sld [smem:$0x3FB6];
	_ =	sdelay $0x3  }
0x33: {  	p0 =	seq.s32 s10, $0x1;
	s10 =	sld [smem:$0x3FB8];
	_ =	sdelay $0x3  }
0x34: {  	[smem:$0x3FB8] =	sst s10  }
0x35: {  	s10 =	sld [smem:$0x3FB7];
	_ =	sdelay $0x3  }
0x36: {  	p1 =	seq.s32 s10, $0x1;
	s10 =	sld [smem:$0x3FB8];
	_ =	sdelay $0x3  }
0x37: {  	[smem:$0x3FB8] =	sst s10  }
0x38: {  	s10 =	sld [smem:$0x3FB9]  }
0x39: {  	_ = 	snop;
	(pc) =	sbr.ind lr, $3  }
0x3a: {  	_ = 	snop  }
0x3b: {  	_ = 	snop  }
0x3c: {  	p2 =	seq.s32 s10, $0x1;
	s10 =	sld [smem:$0x3FB8]  }
0x3d: {  	_ =	shalt  }
0x3e: {  	_ =	shalt  }
0x3f: {  	_ =	shalt  }
0x40: {  	_ =	shalt  }
0x41: {  	_ =	shalt  }
0x42: {  	_ =	shalt  }
0x43: {  	_ =	shalt  }
0x44: {  	_ =	shalt  }
0x45: {  	_ =	shalt  }
0x46: {  	_ =	shalt  }
0x47: {  	_ =	shalt  }
0x48: {  	_ =	shalt  }
0x49: {  	_ =	shalt  }
0x4a: {  	_ =	shalt  }
0x4b: {  	_ =	shalt  }
0x4c: {  	_ =	shalt  }
0x4d: {  	_ =	shalt  }
0x4e: {  	_ =	shalt  }
0x4f: {  	_ =	shalt  }
0x50: {  	_ =	shalt  }
0x51: {  	_ =	shalt  }
0x52: {  	_ =	shalt  }
0x53: {  	_ =	shalt  }
0x54: {  	_ =	shalt  }
0x55: {  	_ =	shalt  }
0x56: {  	_ =	shalt  }
0x57: {  	_ =	shalt  }
0x58: {  	_ =	shalt  }
0x59: {  	_ =	shalt  }
0x5a: {  	_ =	shalt  }
0x5b: {  	_ =	shalt  }
0x5c: {  	_ =	shalt  }
0x5d: {  	_ =	shalt  }
0x5e: {  	_ =	shalt  }
0x5f: {  	_ =	shalt  }
0x60: {  	_ =	shalt  }
0x61: {  	_ =	shalt  }
0x62: {  	_ =	shalt  }
0x63: {  	_ =	shalt  }
0x64: {  	_ =	shalt  }
0x65: {  	_ =	shalt  }
0x66: {  	_ =	shalt  }
0x67: {  	_ =	shalt  }
0x68: {  	_ =	shalt  }
0x69: {  	_ =	shalt  }
0x6a: {  	_ =	shalt  }
0x6b: {  	_ =	shalt  }
0x6c: {  	_ =	shalt  }
0x6d: {  	_ =	shalt  }
0x6e: {  	_ =	shalt  }
0x6f: {  	_ =	shalt  }
0x70: {  	_ =	shalt  }
0x71: {  	_ =	shalt  }
0x72: {  	_ =	shalt  }
0x73: {  	_ =	shalt  }
0x74: {  	_ =	shalt  }
0x75: {  	_ =	shalt  }
0x76: {  	_ =	shalt  }
0x77: {  	_ =	shalt  }
0x78: {  	_ =	shalt  }
0x79: {  	_ =	shalt  }
0x7a: {  	_ =	shalt  }
0x7b: {  	_ =	shalt  }
0x7c: {  	_ =	shalt  }
0x7d: {  	_ =	shalt  }
0x7e: {  	_ =	shalt  }
0x7f: {  	_ =	shalt  }
0x80: {  	_ =	shalt  }
0x81: {  	_ =	shalt  }
0x82: {  	_ =	shalt  }
0x83: {  	_ =	shalt  }
0x84: {  	_ =	shalt  }
0x85: {  	_ =	shalt  }
0x86: {  	_ =	shalt  }
0x87: {  	_ =	shalt  }
.Lfunc_end0:
.L_simem_size_0:
called_computation_lowered:
.L_overlay_start_0:
0x88: {  	s2 =	sld [smem:$0x3FD9]  }
0x89: {  	s3 =	sld [smem:$0x3FFE];
	_ =	sdelay $0x1  }
0x8a: {  	s1 =	srdreg.scid  }
0x8b: {  	s0 =	sand.u32 $0x1, s1  }
0x8c: {  	s17 =	sshll.u32 s0, $0xA;
	s2 =	sadd.s32 s3, s2  }
0x8d: {  	s2 =	sadd.s32 s2, s17  }
0x8e: {  	[smem:$0x3FC4] =	sst s2  }
0x8f: {  	_ = 	snop  }
0x90: {  	s2 =	sld [smem:$0x3FC9]  }
0x91: {  	s18 =	sld [smem:$0x3FC8];
	(tm) =	ssettm $0x1  }
0x92: {  	s4 =	sld [smem:$0x3FFB];
	_ =	sdelay $0x3  }
0x93: {  	_ =	strace s4  }
0x94: {  	s4 =	sld [smem:$0x3FFC];
	_ =	sdelay $0x3  }
0x95: {  	_ =	strace s4  }
0x96: {  	s4 =	sld [smem:$0x3FFD];
	_ =	sdelay $0x3  }
0x97: {  	_ =	strace s4  }
0x98: {  	_ =	strace $0x8FFFFFFF  }
0x99: {  	s19 =	sld [smem:$0x3FDB];
	_ =	sdelay $0x1  }
0x9a: {  	s5 =	simm.s32 $_scs_section_size  }
0x9b: {  	s6 =	simm.s32 $_size__tile_overlayer_lowered;
	s7 =	simm.s32 $_tile_overlayer_lowered  }
0x9c: {  	s22 =	simm.s32 $0x1BFF;
	s21 =	sshll.u32 s7, $0x1;
	s4 =	sadd.s32 s5, s19  }
0x9d: {  	s8 =	simm.s32 $0x0;
	s20 =	sshll.u32 s6, $0x1;
	s6 =	sadd.s32 s21, s4  }
0x9e: {  	[timem:s8], [sflag:s22] =	dma.local [hbm:s6], s20  }
0x9f: {  	_ =	swait.ge [sflag:s22], s20  }
0xa0: {  	s5 =	ssub.s32 $0x0, s20;
	[sflag:s22] =	ssyncset.done $0x0  }
0xa1: {  	[sflag:s22] =	ssyncadd.s32 s5;
	_ =	sdelay $0x1  }
0xa2: {  	s23 =	simm.s32 $0x1B8B  }
0xa3: {  	_ =	swait.ge [sflag:s23], $0x1  }
0xa4: {  	[sflag:s23] =	ssyncset.done $0x0  }
0xa5: {  	s25 =	simm.s32 $0x1B8E;
	s24 =	sld [smem:$0x3FFE];
	[sflag:s23] =	ssyncadd.s32 $0xFFFFFFFF  }
0xa6: {  	s26 =	simm.s32 $execute0_lowered;
	[smem:$0x3FD2] =	sst s25  }
0xa7: {  	s6 =	sshll.u32 s26, $0x1;
	_ =	strace $0x80000046;
	[dreg:$0x1] =	wrdreg $0xFFFFFFFF  }
0xa8: {  	s28 =	simm.s32 $_size_execute0_lowered;
	s4 =	sadd.s32 s4, s6;
	[dreg:$0x0] =	wrdreg $0x0  }
0xa9: {  	s6 =	sshll.u32 s28, $0x1;
	[dreg:$0x2] =	wrdreg s4  }
0xaa: {  	[dreg:$0x3] =	wrdreg s6  }
0xab: {  	[dreg:$0x4] =	wrdreg $0xC0  }
0xac: {  	_ =	task [dreg:s8], $0x5FFFF  }
0xad: {  	[dreg:$0x1] =	wrdreg $0xFFFFFFFF  }
0xae: {  	[dreg:$0x0] =	wrdreg $0x60  }
0xaf: {  	[dreg:$0x2] =	wrdreg s2  }
0xb0: {  	[dreg:$0x3] =	wrdreg s18  }
0xb1: {  	[dreg:$0x4] =	wrdreg s24  }
0xb2: {  	[dreg:$0x5] =	wrdreg $0x0  }
0xb3: {  	[dreg:$0x6] =	wrdreg $0x9  }
0xb4: {  	_ =	task.clear_ibuf [dreg:s8], $0x7FFFF;
	_ =	strace $0x90000046  }
0xb5: {  	s29 =	simm.s32 $0x9;
	_ =	strace $0x80000048  }
0xb6: {  	_ =	swait.ge [sflag:s29], $0x1  }
0xb7: {  	[sflag:s29] =	ssyncadd.s32 $0xFFFFFFFF  }
0xb8: {  	_ =	strace $0x90000048  }
0xb9: {  	_ =	sfence  }
0xba: {  	s30 =	sld [smem:$0x0];
	_ =	sdelay $0x2  }
0xbb: {  	s31 =	sshll.u32 s1, $0xD;
	s1 =	sshrl.u32 s1, $0x2  }
0xbc: {  	s3 =	sand.u32 $0x4000, s31;
	s1 =	sadd.s32 s1, s30  }
0xbd: {  	s0 =	sor.u32 s3, s0;
	s1 =	sshll.u32 s1, $0x11  }
0xbe: {  	s0 =	sor.u32 s1, s0  }
0xbf: {  	s0 =	sadd.s32 $0x8F2B, s0  }
0xc0: {  	[sflag:s0] =	ssyncadd.remote.s32 $0x1  }
0xc1: {  	_ =	sfence.sel $0xFFFF  }
0xc2: {  	[dreg:$0x0] =	wrdreg $0xFFFFFFFF;
	(pc) =	sbr.abs _section_cstart, $3  }
0xc3: {  	[dreg:$0x1] =	wrdreg $0xFFFFFFFF  }
0xc4: {  	_ =	task.clear_ibuf [dreg:s8], $0x2FFFF;
	_ =	strace $0x9FFFFFFF  }
0xc5: {  	(tm) =	ssettm $0x7FFFFFFF  }
tec
execute0_lowered:
.L_overlay_start_1:
0x0: {  	(tag) =	ssettag $0x1  }
0x1: {  	s1 =	rddreg [dreg:$0x0]  }
0x2: {  	s10 =	rddreg [dreg:$0x1]  }
0x3: {  	s5 =	rddreg [dreg:$0x2];
	s0 =	stileid.u32  }
0x4: {  	s2 =	srdreg.scid;
	s3 =	rddreg [dreg:$0x3]  }
0x5: {  	s4 =	simm.s32 $0x0;
	s17 =	simm.s32 $0x80;
	s18 =	simm.s32 $0x13E00  }
0x6: {  	s19 =	simm.s32 $0x2;
	s8 =	sand.u32 $0x1, s2;
	s2 =	rddreg [dreg:$0x4]  }
0x7: {  	s20 =	simm.s32 $0x0;
	s6 =	smul.u32 $0x13C00, s0;
	[smem:$0x7FF] =	sst s4  }
0x8: {  	s11 =	smul.u32 $0x4F000, s0;
	s29 =	sshll.u32 s0, $0x6;
	p0 =	slt.u32 s0, $0x2  }
0x9: {  	s7 =	smul.u32 $0x13C000, s8;
	_ =	strace $0x80000047;
	s25 =	ssub.s32 $0x2, s8  }
0xa: {  	s15 =	sshll.u32 s8, $0x5;
	s8 =	simm.s32 $0x4E;
	s16 =	sadd.s32 s29, s10  }
0xb: {  	s9 =	sshrl.u32 s6, $0x3;
	s26 =	sshrl.u32 s25, $0x1;
	s28 =	sshrl.u32 s11, $0x2  }
0xc: {  	s30 =	sor.u32 s15, s29;
	s8 =	simm.s32 @!p0 $0x4D;
	s31 =	sadd.s32 s15, s16  }
0xd: {  	s15 =	simm.s32 $0x13C00;
	s16 =	simm.s32 $0x1;
	s6 =	sadd.s32 s6, s7  }
0xe: {  	s9 =	sadd.s32 s9, s5;
	s13 =	ssub.s32 s25, s26;
	s7 =	simm.s32 $0x4F  }
0xf: {  	s14 =	sadd.s32 s28, s3;
	s6 =	sshrl.u32 s6, $0x3;
	s7 =	simm.s32 @!p0 $0x4E  }
0x10: {  	s11 =	smax.u32 s13, $0x1;
	s13 =	sshrl.u32 s14, $0x3;
	s14 =	simm.s32 $0x3  }
0x11: {  	s12 =	sadd.s32 s6, s5;
	s5 =	sadd.s32 $0x1200, s9;
	s6 =	sor.u32 $0x1C03, s29  }
0x12: {  	s9 =	sadd.s32 s10, s30;
	s10 =	sadd.s32 $0x28A00, s12;
	s12 =	sadd.s32 $0x400, s31  }
.LBB2_1:
0x13: {  	[spmem:s13], [sflag:s6] =	dma.local [hbm:s5], $0x2780  }
0x14: {  	_ =	swait.ge [sflag:s14], $0x2780  }
0x15: {  	[sflag:s14] =	ssyncset.done $0x0  }
0x16: {  	[sflag:s14] =	ssyncadd.s32 $0xFFFFD880  }
0x17: {  	[bflag:$0x0] =	sbarrier.arrive $0xFFFF  }
0x18: {  	[tilespmem:s15], [sflag:$0x1] =	stream.linear.gather [hbm4b:s9+s4], $0x100, $0x38;
	[tilespmem:$0x17E00] =	vst v63  }
0x19: {  	s21 =	sand.u32 $0x1, s4;
	p0 =	sle.u32 s8, $0x0;
	_ =	swait.ge [sflag:s16], $0x100  }
0x1a: {  	s22 =	sshll.u32 @!p0 s21, $0x8;
	s21 =	sshll.u32 s21, $0x8;
	[sflag:s16] =	ssyncset.done $0x0  }
0x1b: {  	s23 =	simm.s32 @!p0 $0x0;
	s22 =	sxor.u32 @!p0 $0x13D00, s22;
	[sflag:s16] =	ssyncadd.s32 $0xFFFFFF00  }
0x1c: {  	[tilespmem:s22], [sflag:$0x1] =	stream.linear.gather @!p0 [hbm4b:s12+s23], $0x100, $0x38;
	[tilespmem:$0x17E00] =	vst v63  }
0x1d: {  	s31 =	sor.u32 $0x13C00, s21  }
0x1e: {  	[tilespmem:s18], [sflag:$0x2] =	stream.indirect.gather [hbm4b:s1+s17], $0x80, s31, s17, $0xb8;
	[tilespmem:$0x17E00] =	vst v63  }
0x1f: {  	p0 =	sne.s32 s7, $0x1;
	_ =	swait.ge [sflag:s19], $0x4000  }
.Ltmp0:
0x20: {  	[sflag:s19] =	ssyncset.done $0x0;
	(pc) =	sbr.rel @!p0 .LBB2_3-.Ltmp0, $4  }
0x21: {  	s21 =	sor.u32 $0x13C80, s21;
	[sflag:s19] =	ssyncadd.s32 $0xFFFFC000  }
0x22: {  	[spmem:s3] =	stream.indirect.scatter.add.f32 [tilespmem:s18], [sflag:$0x3], $0x80, s21, s17, $0xb8;
	[tilespmem:$0x17E00] =	vst v63  }
0x23: {  	_ =	swait.ge [sflag:s14], $0x4000  }
0x24: {  	s22 =	smov.u32 s12;
	s21 =	simm.s32 $0x1;
	[sflag:s14] =	ssyncset.done $0x0  }
.LBB2_2:
0x25: {  	[sflag:s14] =	ssyncadd.s32 $0xFFFFC000  }
0x26: {  	s22 =	sadd.s32 $0x400, s22;
	s23 =	smov.u32 s21;
	s21 =	sadd.s32 $0x1, s21  }
0x27: {  	s24 =	sand.u32 $0x1, s23;
	_ =	swait.ge [sflag:s16], $0x100;
	p0 =	sge.u32 s23, s8  }
0x28: {  	[sflag:s16] =	ssyncset.done $0x0;
	s23 =	sshll.u32 @!p0 s24, $0x8;
	s24 =	sshll.u32 s24, $0x8  }
0x29: {  	s25 =	simm.s32 @!p0 $0x0;
	[sflag:s16] =	ssyncadd.s32 $0xFFFFFF00;
	s23 =	sxor.u32 @!p0 $0x13D00, s23  }
0x2a: {  	[tilespmem:s23], [sflag:$0x1] =	stream.linear.gather @!p0 [hbm4b:s22+s25], $0x100, $0x38;
	[tilespmem:$0x17E00] =	vst v63  }
0x2b: {  	s23 =	sor.u32 $0x13C00, s24;
	p0 =	sne.s32 s7, s21  }
0x2c: {  	[tilespmem:s18], [sflag:$0x2] =	stream.indirect.gather [hbm4b:s1+s17], $0x80, s23, s17, $0xb8;
	[tilespmem:$0x17E00] =	vst v63  }
0x2d: {  	_ =	swait.ge [sflag:s19], $0x4000  }
.Ltmp1:
0x2e: {  	[sflag:s19] =	ssyncset.done $0x0;
	(pc) =	sbr.rel @p0 .LBB2_2-.Ltmp1, $4  }
0x2f: {  	s23 =	sor.u32 $0x13C80, s24;
	[sflag:s19] =	ssyncadd.s32 $0xFFFFC000  }
0x30: {  	[spmem:s3] =	stream.indirect.scatter.add.f32 [tilespmem:s18], [sflag:$0x3], $0x80, s23, s17, $0xb8;
	[tilespmem:$0x17E00] =	vst v63  }
0x31: {  	_ =	swait.ge [sflag:s14], $0x4000  }
0x32: {  	[sflag:s14] =	ssyncset.done $0x0  }
.LBB2_3:
0x33: {  	s20 =	sadd.s32 $0x1, s20  }
0x34: {  	[sflag:s14] =	ssyncadd.s32 $0xFFFFC000;
	p0 =	sne.s32 s20, s11  }
.Ltmp2:
0x35: {  	[bflag:$0x0] =	sbarrier.arrive $0xFFFF;
	(pc) =	sbr.rel @p0 .LBB2_1-.Ltmp2, $4  }
0x36: {  	[hbm:s10], [sflag:s6] =	dma.local [spmem:s13], $0x2780  }
0x37: {  	_ =	swait.ge [sflag:s14], $0x2780  }
0x38: {  	[sflag:s14] =	ssyncset.done $0x0  }
0x39: {  	[sflag:s14] =	ssyncadd.s32 $0xFFFFD880  }
0x3a: {  	_ =	sfence.sel $0x180000  }
0x3b: {  	[bflag:$0x0] =	sbarrier.arrive $0xFFFF  }
0x3c: {  	p0 =	sne.s32 s0, $0x0;
	_ =	strace $0x90000047  }
0x3d: {  	s0 =	sadd.s32 @!p0 $0x100000, s2;
	[bflag:$0x2] =	sbarrier.arrive $0xFFFF  }
0x3e: {  	[sflag:s0] =	ssyncadd.tile.s32 @!p0 $0x1;
	_ =	shalt  }
.Lfunc_end2:
_tile_overlayer_lowered:
.L_overlay_start_2:
0x3f: {  	(tag) =	ssettag $0x2  }
0x40: {  	s0 =	rddreg [dreg:$0x0];
	s2 =	stileid.u32  }
0x41: {  	s1 =	rddreg [dreg:$0x1];
	p0 =	sne.s32 s2, $0x0  }
0x42: {  	s3 =	rddreg [dreg:$0x2];
	[bflag:$0x3] =	sbarrier.arrive $0xFFFF;
	s2 =	simm.s32 @!p0 $0x1C03  }
0x43: {  	[timem:s3], [sflag:s2] =	dma.local @!p0 [hbm:s0], s1  }
0x44: {  	s0 =	simm.s32 @!p0 $0x3  }
0x45: {  	_ =	swait.ge @!p0 [sflag:s0], s1  }
0x46: {  	s1 =	ssub.s32 @!p0 $0x0, s1;
	[sflag:s0] =	ssyncset.done @!p0 $0x0  }
0x47: {  	[sflag:s0] =	ssyncadd.s32 @!p0 s1  }
0x48: {  	[bflag:$0x3] =	sbarrier.arrive $0xFFFF  }
0x49: {  	_ =	shalt  }

</sc_bundles>
